<compile_context>
chip_gen: v7x
topology: tpu7x:2x2x1
jax: 0.10.2.dev20260603
libtpu: 0.0.44.dev20260713+nightly
codegen_flags: <defaults>
</compile_context>

<pallas_src>
import functools

import jax
import jax.numpy as jnp
from jax import lax
from jax.experimental import pallas as pl
from jax.experimental.pallas import tpu as pltpu
from jax.experimental.pallas import tpu_sc as plsc

LANES = 16
CHUNK = 4

_GATHER_DNUMS = lax.GatherDimensionNumbers(
    offset_dims=(), collapsed_slice_dims=(0,), start_index_map=(0,)
)


def _lane_broadcast(vec, lane):
    idx = jnp.full((LANES,), lane, jnp.int32).reshape(LANES, 1)
    return lax.gather(
        vec,
        idx,
        dimension_numbers=_GATHER_DNUMS,
        slice_sizes=(1,),
        mode=lax.GatherScatterMode.PROMISE_IN_BOUNDS,
    )


def _make_sc_kernel(seq_len, batch, dim, num_peaks):
    info = plsc.get_sparse_core_info()
    n_workers = info.num_cores * info.num_subcores
    rows_per_worker = seq_len // n_workers
    n_chunks = rows_per_worker // CHUNK
    vecs = dim // LANES
    groups = batch // LANES
    mesh = plsc.VectorSubcoreMesh(core_axis_name="c", subcore_axis_name="s")

    @functools.partial(
        pl.kernel,
        mesh=mesh,
        out_type=jax.ShapeDtypeStruct((seq_len, batch, dim), jnp.float32),
        scratch_types=[
            pltpu.VMEM((CHUNK, batch, dim), jnp.float32),
            pltpu.VMEM((CHUNK, dim), jnp.float32),
            pltpu.VMEM((CHUNK, dim), jnp.float32),
            pltpu.VMEM((num_peaks, batch), jnp.int32),
        ],
    )
    def sc_kernel(x_hbm, pos_hbm, pe_hbm, tab_hbm, out_hbm, xbuf, pebuf, tabbuf, posv):
        wid = lax.axis_index("s") * info.num_cores + lax.axis_index("c")
        row0 = wid * rows_per_worker
        pltpu.sync_copy(pos_hbm, posv)

        def chunk_body(ci, _):
            s_base = row0 + ci * CHUNK
            pltpu.sync_copy(x_hbm.at[pl.ds(s_base, CHUNK)], xbuf)
            pltpu.sync_copy(pe_hbm.at[pl.ds(s_base, CHUNK)], pebuf)
            pltpu.sync_copy(tab_hbm.at[pl.ds(s_base, CHUNK)], tabbuf)

            def row_body(si, _):
                s = s_base + si
                sv = jnp.full((LANES,), s, jnp.int32)
                pev = [pebuf[si, pl.ds(j * LANES, LANES)] for j in range(vecs)]
                tabv = [tabbuf[si, pl.ds(j * LANES, LANES)] for j in range(vecs)]

                def group_body(g, _):
                    cg = jnp.zeros((LANES,), jnp.float32)
                    for k in range(num_peaks):
                        pk = posv[k, pl.ds(g * LANES, LANES)]
                        cg = cg + jnp.where(pk == sv, 1.0, 0.0)

                    def lane_body(i, _):
                        b = g * LANES + i
                        cb = _lane_broadcast(cg, i)
                        for j in range(vecs):
                            sl = pl.ds(j * LANES, LANES)
                            xbuf[si, b, sl] = (
                                xbuf[si, b, sl] + pev[j] + cb * tabv[j]
                            )
                        return 0

                    lax.fori_loop(0, LANES, lane_body, 0)
                    return 0

                lax.fori_loop(0, groups, group_body, 0)
                return 0

            lax.fori_loop(0, CHUNK, row_body, 0)
            pltpu.sync_copy(xbuf, out_hbm.at[pl.ds(s_base, CHUNK)])
            return 0

        lax.fori_loop(0, n_chunks, chunk_body, 0)

    return sc_kernel


def kernel(x, peak_positions, pe, peak_table):
    seq_len, batch, dim = x.shape
    num_peaks = peak_positions.shape[1]
    sck = _make_sc_kernel(seq_len, batch, dim, num_peaks)
    return sck(x, peak_positions.T, pe[:seq_len], peak_table[:seq_len])

# --- scband reference (transcript-rebuilt; emitter-appended) ---
"""Pipeline reference for scband-pewith-peak-69827578298900 (READ-ONLY COPY).

The authoritative reference and input builder live on the scoring server;
editing this copy changes nothing except your own understanding.
"""

import jax, jax.numpy as jnp
import numpy as np
import math

EMBED_DIM = 64
MAX_LEN = 2048
SEQ_LEN = 2048
BATCH = 128
NUM_PEAKS = 4


def _make_pe():
    pe = np.zeros((MAX_LEN, EMBED_DIM), dtype=np.float32)
    position = np.arange(MAX_LEN, dtype=np.float32)[:, None]
    div_term = np.exp(np.arange(0, EMBED_DIM, 2, dtype=np.float32) * (-math.log(10000.0) / EMBED_DIM))
    pe[:, 0::2] = np.sin(position * div_term)
    pe[:, 1::2] = np.cos(position * div_term)
    return jnp.asarray(pe)


def setup_inputs(seed: int = 0) -> dict:
    key = jax.random.key(seed)
    k1, k2, k3 = jax.random.split(key, 3)
    x = jax.random.normal(k1, (SEQ_LEN, BATCH, EMBED_DIM), dtype=jnp.float32)
    peak_positions = jax.random.randint(k2, (BATCH, NUM_PEAKS), 0, SEQ_LEN, dtype=jnp.int32)
    peak_table = jax.random.normal(k3, (MAX_LEN, EMBED_DIM), dtype=jnp.float32) * 0.02
    pe = _make_pe()
    return {"x": x, "peak_positions": peak_positions, "pe": pe, "peak_table": peak_table}


def reference(x, peak_positions, pe, peak_table):
    seq_len, batch, dim = x.shape
    out = x + pe[:seq_len][:, None, :]
    pos = peak_positions.reshape(-1)
    bidx = jnp.repeat(jnp.arange(batch, dtype=jnp.int32), peak_positions.shape[1])
    valid = (pos >= 0) & (pos < seq_len)
    safe = jnp.where(valid, pos, 0)
    emb = jnp.take(peak_table, safe, axis=0) * valid[:, None].astype(x.dtype)
    peak_sum = jnp.zeros_like(out).at[safe, bidx].add(emb)
    return out + peak_sum

if __name__ == "__main__":
    import jax
    _d = setup_inputs()
    print(jax.jit(kernel)(*tuple(_d.values())))

</pallas_src>

<mosaic_0001>
#map = affine_map<(d0, d1) -> (0, 0, 0)>
#map1 = affine_map<(d0, d1) -> (0, 0)>
module attributes {stable_mosaic.version = 14 : i64} {
  func.func @sc_kernel(%arg0: i32, %arg1: i32, %arg2: memref<2048x128x64xf32, #tpu.memory_space<hbm>>, %arg3: memref<4x128xi32, #tpu.memory_space<hbm>>, %arg4: memref<2048x64xf32, #tpu.memory_space<hbm>>, %arg5: memref<2048x64xf32, #tpu.memory_space<hbm>>, %arg6: memref<2048x128x64xf32, #tpu.memory_space<hbm>>, %arg7: memref<4x128x64xf32, #tpu.memory_space<vmem>>, %arg8: memref<4x64xf32, #tpu.memory_space<vmem>>, %arg9: memref<4x64xf32, #tpu.memory_space<vmem>>, %arg10: memref<4x128xi32, #tpu.memory_space<vmem>>) attributes {dimension_semantics = [#tpu.dimension_semantics<core_parallel>, #tpu.dimension_semantics<subcore_parallel>], iteration_bounds = array<i64: 2, 16>, scalar_prefetch = 0 : i64, scratch_operands = 4 : i64, tpu.core_type = #tpu.core_type<sc_vector_subcore>, window_params = [{transform_indices = #map}, {transform_indices = #map1}, {transform_indices = #map1}, {transform_indices = #map1}, {transform_indices = #map}]} {
    %mul3A = arith.constant 2 : i32
    %mul3A_0 = arith.muli %arg1, %mul3A : i32
    %add3A = arith.addi %mul3A_0, %arg0 : i32
    %mul3A_1 = arith.constant 64 : i32
    %mul3A_2 = arith.muli %add3A, %mul3A_1 : i32
    "tpu.region"() ({
      %run_scoped3A = tpu.sem_alloc : memref<!tpu.dma_semaphore, #tpu.memory_space<semaphore_mem>>
      tpu.enqueue_dma source(%arg3 : memref<4x128xi32, #tpu.memory_space<hbm>>) target(%arg10 : memref<4x128xi32, #tpu.memory_space<vmem>>) target_semaphore(%run_scoped3A : memref<!tpu.dma_semaphore, #tpu.memory_space<semaphore_mem>>)
      tpu.wait_dma2 semaphore(%run_scoped3A : memref<!tpu.dma_semaphore, #tpu.memory_space<semaphore_mem>>) src(%arg3 : memref<4x128xi32, #tpu.memory_space<hbm>>) dst(%arg10 : memref<4x128xi32, #tpu.memory_space<vmem>>)
      tpu.yield
    }) : () -> ()
    %scan3A = arith.constant 0 : i32
    %scan3A_3 = arith.constant 0 : i32
    %scan3A_4 = arith.constant 16 : i32
    %scan3A_5 = arith.addi %scan3A_3, %scan3A_4 : i32
    %scan3A_6 = arith.constant 1 : i32
    %scan3A_7 = scf.for %scan3A_9 = %scan3A_3 to %scan3A_5 step %scan3A_6 iter_args(%scan3A_10 = %scan3A) -> (i32)  : i32 {
      %mul3A_11 = arith.constant 4 : i32
      %mul3A_12 = arith.muli %scan3A_9, %mul3A_11 : i32
      %add3A_13 = arith.addi %mul3A_2, %mul3A_12 : i32
      "tpu.region"() ({
        %run_scoped3A = tpu.sem_alloc : memref<!tpu.dma_semaphore, #tpu.memory_space<semaphore_mem>>
        %dma_start3A = arith.constant 0 : i32
        %dma_start3A_22 = arith.constant 0 : i32
        %dma_start3A_23 = tpu.memref_slice %arg2[%add3A_13, %dma_start3A, %dma_start3A_22] : memref<2048x128x64xf32, #tpu.memory_space<hbm>> -> memref<4x128x64xf32, #tpu.memory_space<hbm>>
        %dma_start3A_24 = arith.constant 0 : i32
        %dma_start3A_25 = arith.constant 0 : i32
        %dma_start3A_26 = tpu.memref_slice %arg2[%add3A_13, %dma_start3A_24, %dma_start3A_25] : memref<2048x128x64xf32, #tpu.memory_space<hbm>> -> memref<4x128x64xf32, #tpu.memory_space<hbm>>
        tpu.enqueue_dma source(%dma_start3A_26 : memref<4x128x64xf32, #tpu.memory_space<hbm>>) target(%arg7 : memref<4x128x64xf32, #tpu.memory_space<vmem>>) target_semaphore(%run_scoped3A : memref<!tpu.dma_semaphore, #tpu.memory_space<semaphore_mem>>)
        %dma_wait3A = arith.constant 0 : i32
        %dma_wait3A_27 = arith.constant 0 : i32
        %dma_wait3A_28 = tpu.memref_slice %arg2[%add3A_13, %dma_wait3A, %dma_wait3A_27] : memref<2048x128x64xf32, #tpu.memory_space<hbm>> -> memref<4x128x64xf32, #tpu.memory_space<hbm>>
        %dma_wait3A_29 = arith.constant 0 : i32
        %dma_wait3A_30 = arith.constant 0 : i32
        %dma_wait3A_31 = tpu.memref_slice %arg2[%add3A_13, %dma_wait3A_29, %dma_wait3A_30] : memref<2048x128x64xf32, #tpu.memory_space<hbm>> -> memref<4x128x64xf32, #tpu.memory_space<hbm>>
        tpu.wait_dma2 semaphore(%run_scoped3A : memref<!tpu.dma_semaphore, #tpu.memory_space<semaphore_mem>>) src(%dma_wait3A_31 : memref<4x128x64xf32, #tpu.memory_space<hbm>>) dst(%arg7 : memref<4x128x64xf32, #tpu.memory_space<vmem>>)
        tpu.yield
      }) : () -> ()
      "tpu.region"() ({
        %run_scoped3A = tpu.sem_alloc : memref<!tpu.dma_semaphore, #tpu.memory_space<semaphore_mem>>
        %dma_start3A = arith.constant 0 : i32
        %dma_start3A_22 = tpu.memref_slice %arg4[%add3A_13, %dma_start3A] : memref<2048x64xf32, #tpu.memory_space<hbm>> -> memref<4x64xf32, #tpu.memory_space<hbm>>
        %dma_start3A_23 = arith.constant 0 : i32
        %dma_start3A_24 = tpu.memref_slice %arg4[%add3A_13, %dma_start3A_23] : memref<2048x64xf32, #tpu.memory_space<hbm>> -> memref<4x64xf32, #tpu.memory_space<hbm>>
        tpu.enqueue_dma source(%dma_start3A_24 : memref<4x64xf32, #tpu.memory_space<hbm>>) target(%arg8 : memref<4x64xf32, #tpu.memory_space<vmem>>) target_semaphore(%run_scoped3A : memref<!tpu.dma_semaphore, #tpu.memory_space<semaphore_mem>>)
        %dma_wait3A = arith.constant 0 : i32
        %dma_wait3A_25 = tpu.memref_slice %arg4[%add3A_13, %dma_wait3A] : memref<2048x64xf32, #tpu.memory_space<hbm>> -> memref<4x64xf32, #tpu.memory_space<hbm>>
        %dma_wait3A_26 = arith.constant 0 : i32
        %dma_wait3A_27 = tpu.memref_slice %arg4[%add3A_13, %dma_wait3A_26] : memref<2048x64xf32, #tpu.memory_space<hbm>> -> memref<4x64xf32, #tpu.memory_space<hbm>>
        tpu.wait_dma2 semaphore(%run_scoped3A : memref<!tpu.dma_semaphore, #tpu.memory_space<semaphore_mem>>) src(%dma_wait3A_27 : memref<4x64xf32, #tpu.memory_space<hbm>>) dst(%arg8 : memref<4x64xf32, #tpu.memory_space<vmem>>)
        tpu.yield
      }) : () -> ()
      "tpu.region"() ({
        %run_scoped3A = tpu.sem_alloc : memref<!tpu.dma_semaphore, #tpu.memory_space<semaphore_mem>>
        %dma_start3A = arith.constant 0 : i32
        %dma_start3A_22 = tpu.memref_slice %arg5[%add3A_13, %dma_start3A] : memref<2048x64xf32, #tpu.memory_space<hbm>> -> memref<4x64xf32, #tpu.memory_space<hbm>>
        %dma_start3A_23 = arith.constant 0 : i32
        %dma_start3A_24 = tpu.memref_slice %arg5[%add3A_13, %dma_start3A_23] : memref<2048x64xf32, #tpu.memory_space<hbm>> -> memref<4x64xf32, #tpu.memory_space<hbm>>
        tpu.enqueue_dma source(%dma_start3A_24 : memref<4x64xf32, #tpu.memory_space<hbm>>) target(%arg9 : memref<4x64xf32, #tpu.memory_space<vmem>>) target_semaphore(%run_scoped3A : memref<!tpu.dma_semaphore, #tpu.memory_space<semaphore_mem>>)
        %dma_wait3A = arith.constant 0 : i32
        %dma_wait3A_25 = tpu.memref_slice %arg5[%add3A_13, %dma_wait3A] : memref<2048x64xf32, #tpu.memory_space<hbm>> -> memref<4x64xf32, #tpu.memory_space<hbm>>
        %dma_wait3A_26 = arith.constant 0 : i32
        %dma_wait3A_27 = tpu.memref_slice %arg5[%add3A_13, %dma_wait3A_26] : memref<2048x64xf32, #tpu.memory_space<hbm>> -> memref<4x64xf32, #tpu.memory_space<hbm>>
        tpu.wait_dma2 semaphore(%run_scoped3A : memref<!tpu.dma_semaphore, #tpu.memory_space<semaphore_mem>>) src(%dma_wait3A_27 : memref<4x64xf32, #tpu.memory_space<hbm>>) dst(%arg9 : memref<4x64xf32, #tpu.memory_space<vmem>>)
        tpu.yield
      }) : () -> ()
      %scan3A_14 = arith.constant 0 : i32
      %scan3A_15 = arith.constant 0 : i32
      %scan3A_16 = arith.constant 4 : i32
      %scan3A_17 = arith.addi %scan3A_15, %scan3A_16 : i32
      %scan3A_18 = arith.constant 1 : i32
      %scan3A_19 = scf.for %scan3A_22 = %scan3A_15 to %scan3A_17 step %scan3A_18 iter_args(%scan3A_23 = %scan3A_14) -> (i32)  : i32 {
        %add3A_24 = arith.addi %add3A_13, %scan3A_22 : i32
        %broadcast_in_dim3A = vector.broadcast %add3A_24 : i32 to vector<16xi32>
        %get3A = arith.index_cast %scan3A_22 : i32 to index
        %get3A_25 = arith.constant 0 : index
        %get3A_26 = tpu.vector_load %arg8[%get3A, %get3A_25] {strides = array<i32>} : memref<4x64xf32, #tpu.memory_space<vmem>>, vector<1x16xf32>,
        %get3A_27 = vector.shape_cast %get3A_26 : vector<1x16xf32> to vector<16xf32>
        %get3A_28 = arith.index_cast %scan3A_22 : i32 to index
        %get3A_29 = arith.constant 16 : index
        %get3A_30 = tpu.vector_load %arg8[%get3A_28, %get3A_29] {strides = array<i32>} : memref<4x64xf32, #tpu.memory_space<vmem>>, vector<1x16xf32>,
        %get3A_31 = vector.shape_cast %get3A_30 : vector<1x16xf32> to vector<16xf32>
        %get3A_32 = arith.index_cast %scan3A_22 : i32 to index
        %get3A_33 = arith.constant 32 : index
        %get3A_34 = tpu.vector_load %arg8[%get3A_32, %get3A_33] {strides = array<i32>} : memref<4x64xf32, #tpu.memory_space<vmem>>, vector<1x16xf32>,
        %get3A_35 = vector.shape_cast %get3A_34 : vector<1x16xf32> to vector<16xf32>
        %get3A_36 = arith.index_cast %scan3A_22 : i32 to index
        %get3A_37 = arith.constant 48 : index
        %get3A_38 = tpu.vector_load %arg8[%get3A_36, %get3A_37] {strides = array<i32>} : memref<4x64xf32, #tpu.memory_space<vmem>>, vector<1x16xf32>,
        %get3A_39 = vector.shape_cast %get3A_38 : vector<1x16xf32> to vector<16xf32>
        %get3A_40 = arith.index_cast %scan3A_22 : i32 to index
        %get3A_41 = arith.constant 0 : index
        %get3A_42 = tpu.vector_load %arg9[%get3A_40, %get3A_41] {strides = array<i32>} : memref<4x64xf32, #tpu.memory_space<vmem>>, vector<1x16xf32>,
        %get3A_43 = vector.shape_cast %get3A_42 : vector<1x16xf32> to vector<16xf32>
        %get3A_44 = arith.index_cast %scan3A_22 : i32 to index
        %get3A_45 = arith.constant 16 : index
        %get3A_46 = tpu.vector_load %arg9[%get3A_44, %get3A_45] {strides = array<i32>} : memref<4x64xf32, #tpu.memory_space<vmem>>, vector<1x16xf32>,
        %get3A_47 = vector.shape_cast %get3A_46 : vector<1x16xf32> to vector<16xf32>
        %get3A_48 = arith.index_cast %scan3A_22 : i32 to index
        %get3A_49 = arith.constant 32 : index
        %get3A_50 = tpu.vector_load %arg9[%get3A_48, %get3A_49] {strides = array<i32>} : memref<4x64xf32, #tpu.memory_space<vmem>>, vector<1x16xf32>,
        %get3A_51 = vector.shape_cast %get3A_50 : vector<1x16xf32> to vector<16xf32>
        %get3A_52 = arith.index_cast %scan3A_22 : i32 to index
        %get3A_53 = arith.constant 48 : index
        %get3A_54 = tpu.vector_load %arg9[%get3A_52, %get3A_53] {strides = array<i32>} : memref<4x64xf32, #tpu.memory_space<vmem>>, vector<1x16xf32>,
        %get3A_55 = vector.shape_cast %get3A_54 : vector<1x16xf32> to vector<16xf32>
        %scan3A_56 = arith.constant 0 : i32
        %scan3A_57 = arith.constant 0 : i32
        %scan3A_58 = arith.constant 8 : i32
        %scan3A_59 = arith.addi %scan3A_57, %scan3A_58 : i32
        %scan3A_60 = arith.constant 1 : i32
        %scan3A_61 = scf.for %scan3A_64 = %scan3A_57 to %scan3A_59 step %scan3A_60 iter_args(%scan3A_65 = %scan3A_56) -> (i32)  : i32 {
          %broadcast_in_dim3A_66 = arith.constant 0.000000e+00 : f32
          %broadcast_in_dim3A_67 = vector.broadcast %broadcast_in_dim3A_66 : f32 to vector<16xf32>
          %mul3A_68 = arith.constant 16 : i32
          %mul3A_69 = arith.muli %scan3A_64, %mul3A_68 : i32
          %get3A_70 = arith.constant 0 : i32
          %get3A_71 = arith.index_cast %get3A_70 : i32 to index
          %get3A_72 = arith.index_cast %mul3A_69 : i32 to index
          %get3A_73 = tpu.vector_load %arg10[%get3A_71, %get3A_72] {strides = array<i32>} : memref<4x128xi32, #tpu.memory_space<vmem>>, vector<1x16xi32>,
          %get3A_74 = vector.shape_cast %get3A_73 : vector<1x16xi32> to vector<16xi32>
          %eq3A = arith.cmpi eq, %get3A_74, %broadcast_in_dim3A : vector<16xi32>
          %jit3A = arith.constant 1.000000e+00 : f32
          %jit3A_75 = arith.constant 0.000000e+00 : f32
          %broadcast_in_dim3A_76 = vector.broadcast %jit3A : f32 to vector<16xf32>
          %broadcast_in_dim3A_77 = vector.broadcast %jit3A_75 : f32 to vector<16xf32>
          %select_n3A = arith.select %eq3A, %broadcast_in_dim3A_76, %broadcast_in_dim3A_77 : vector<16xi1>, vector<16xf32>
          %add3A_78 = arith.addf %broadcast_in_dim3A_67, %select_n3A : vector<16xf32>
          %mul3A_79 = arith.constant 16 : i32
          %mul3A_80 = arith.muli %scan3A_64, %mul3A_79 : i32
          %get3A_81 = arith.constant 1 : i32
          %get3A_82 = arith.index_cast %get3A_81 : i32 to index
          %get3A_83 = arith.index_cast %mul3A_80 : i32 to index
          %get3A_84 = tpu.vector_load %arg10[%get3A_82, %get3A_83] {strides = array<i32>} : memref<4x128xi32, #tpu.memory_space<vmem>>, vector<1x16xi32>,
          %get3A_85 = vector.shape_cast %get3A_84 : vector<1x16xi32> to vector<16xi32>
          %eq3A_86 = arith.cmpi eq, %get3A_85, %broadcast_in_dim3A : vector<16xi32>
          %jit3A_87 = arith.constant 1.000000e+00 : f32
          %jit3A_88 = arith.constant 0.000000e+00 : f32
          %broadcast_in_dim3A_89 = vector.broadcast %jit3A_87 : f32 to vector<16xf32>
          %broadcast_in_dim3A_90 = vector.broadcast %jit3A_88 : f32 to vector<16xf32>
          %select_n3A_91 = arith.select %eq3A_86, %broadcast_in_dim3A_89, %broadcast_in_dim3A_90 : vector<16xi1>, vector<16xf32>
          %add3A_92 = arith.addf %add3A_78, %select_n3A_91 : vector<16xf32>
          %mul3A_93 = arith.constant 16 : i32
          %mul3A_94 = arith.muli %scan3A_64, %mul3A_93 : i32
          %get3A_95 = arith.constant 2 : i32
          %get3A_96 = arith.index_cast %get3A_95 : i32 to index
          %get3A_97 = arith.index_cast %mul3A_94 : i32 to index
          %get3A_98 = tpu.vector_load %arg10[%get3A_96, %get3A_97] {strides = array<i32>} : memref<4x128xi32, #tpu.memory_space<vmem>>, vector<1x16xi32>,
          %get3A_99 = vector.shape_cast %get3A_98 : vector<1x16xi32> to vector<16xi32>
          %eq3A_100 = arith.cmpi eq, %get3A_99, %broadcast_in_dim3A : vector<16xi32>
          %jit3A_101 = arith.constant 1.000000e+00 : f32
          %jit3A_102 = arith.constant 0.000000e+00 : f32
          %broadcast_in_dim3A_103 = vector.broadcast %jit3A_101 : f32 to vector<16xf32>
          %broadcast_in_dim3A_104 = vector.broadcast %jit3A_102 : f32 to vector<16xf32>
          %select_n3A_105 = arith.select %eq3A_100, %broadcast_in_dim3A_103, %broadcast_in_dim3A_104 : vector<16xi1>, vector<16xf32>
          %add3A_106 = arith.addf %add3A_92, %select_n3A_105 : vector<16xf32>
          %mul3A_107 = arith.constant 16 : i32
          %mul3A_108 = arith.muli %scan3A_64, %mul3A_107 : i32
          %get3A_109 = arith.constant 3 : i32
          %get3A_110 = arith.index_cast %get3A_109 : i32 to index
          %get3A_111 = arith.index_cast %mul3A_108 : i32 to index
          %get3A_112 = tpu.vector_load %arg10[%get3A_110, %get3A_111] {strides = array<i32>} : memref<4x128xi32, #tpu.memory_space<vmem>>, vector<1x16xi32>,
          %get3A_113 = vector.shape_cast %get3A_112 : vector<1x16xi32> to vector<16xi32>
          %eq3A_114 = arith.cmpi eq, %get3A_113, %broadcast_in_dim3A : vector<16xi32>
          %jit3A_115 = arith.constant 1.000000e+00 : f32
          %jit3A_116 = arith.constant 0.000000e+00 : f32
          %broadcast_in_dim3A_117 = vector.broadcast %jit3A_115 : f32 to vector<16xf32>
          %broadcast_in_dim3A_118 = vector.broadcast %jit3A_116 : f32 to vector<16xf32>
          %select_n3A_119 = arith.select %eq3A_114, %broadcast_in_dim3A_117, %broadcast_in_dim3A_118 : vector<16xi1>, vector<16xf32>
          %add3A_120 = arith.addf %add3A_106, %select_n3A_119 : vector<16xf32>
          %scan3A_121 = arith.constant 0 : i32
          %scan3A_122 = arith.constant 0 : i32
          %scan3A_123 = arith.constant 16 : i32
          %scan3A_124 = arith.addi %scan3A_122, %scan3A_123 : i32
          %scan3A_125 = arith.constant 1 : i32
          %scan3A_126 = scf.for %scan3A_129 = %scan3A_122 to %scan3A_124 step %scan3A_125 iter_args(%scan3A_130 = %scan3A_121) -> (i32)  : i32 {
            %mul3A_131 = arith.constant 16 : i32
            %mul3A_132 = arith.muli %scan3A_64, %mul3A_131 : i32
            %add3A_133 = arith.addi %mul3A_132, %scan3A_129 : i32
            %broadcast_in_dim3A_134 = vector.broadcast %scan3A_129 : i32 to vector<16xi32>
            %reshape3A = vector.shape_cast %broadcast_in_dim3A_134 : vector<16xi32> to vector<16x1xi32>
            %gather3A = vector.shape_cast %reshape3A : vector<16x1xi32> to vector<16xi32>
            %gather3A_135 = tpu.dynamic_gather %add3A_120[%gather3A] in [0] : vector<16xf32>, vector<16xi32> -> vector<16xf32>
            %get3A_136 = arith.index_cast %scan3A_22 : i32 to index
            %get3A_137 = arith.index_cast %add3A_133 : i32 to index
            %get3A_138 = arith.constant 0 : index
            %get3A_139 = tpu.vector_load %arg7[%get3A_136, %get3A_137, %get3A_138] {strides = array<i32>} : memref<4x128x64xf32, #tpu.memory_space<vmem>>, vector<1x1x16xf32>,
            %get3A_140 = vector.shape_cast %get3A_139 : vector<1x1x16xf32> to vector<16xf32>
            %add3A_141 = arith.addf %get3A_140, %get3A_27 : vector<16xf32>
            %mul3A_142 = arith.mulf %gather3A_135, %get3A_43 : vector<16xf32>
            %add3A_143 = arith.addf %add3A_141, %mul3A_142 : vector<16xf32>
            %swap3A = arith.index_cast %scan3A_22 : i32 to index
            %swap3A_144 = arith.index_cast %add3A_133 : i32 to index
            %swap3A_145 = arith.constant 0 : index
            %swap3A_146 = tpu.vector_load %arg7[%swap3A, %swap3A_144, %swap3A_145] {strides = array<i32>} : memref<4x128x64xf32, #tpu.memory_space<vmem>>, vector<1x1x16xf32>,
            %swap3A_147 = vector.shape_cast %swap3A_146 : vector<1x1x16xf32> to vector<16xf32>
            %swap3A_148 = vector.shape_cast %add3A_143 : vector<16xf32> to vector<1x1x16xf32>
            tpu.vector_store %arg7[%swap3A, %swap3A_144, %swap3A_145], %swap3A_148 {strides = array<i32>} : memref<4x128x64xf32, #tpu.memory_space<vmem>>, vector<1x1x16xf32>,
            %get3A_149 = arith.index_cast %scan3A_22 : i32 to index
            %get3A_150 = arith.index_cast %add3A_133 : i32 to index
            %get3A_151 = arith.constant 16 : index
            %get3A_152 = tpu.vector_load %arg7[%get3A_149, %get3A_150, %get3A_151] {strides = array<i32>} : memref<4x128x64xf32, #tpu.memory_space<vmem>>, vector<1x1x16xf32>,
            %get3A_153 = vector.shape_cast %get3A_152 : vector<1x1x16xf32> to vector<16xf32>
            %add3A_154 = arith.addf %get3A_153, %get3A_31 : vector<16xf32>
            %mul3A_155 = arith.mulf %gather3A_135, %get3A_47 : vector<16xf32>
            %add3A_156 = arith.addf %add3A_154, %mul3A_155 : vector<16xf32>
            %swap3A_157 = arith.index_cast %scan3A_22 : i32 to index
            %swap3A_158 = arith.index_cast %add3A_133 : i32 to index
            %swap3A_159 = arith.constant 16 : index
            %swap3A_160 = tpu.vector_load %arg7[%swap3A_157, %swap3A_158, %swap3A_159] {strides = array<i32>} : memref<4x128x64xf32, #tpu.memory_space<vmem>>, vector<1x1x16xf32>,
            %swap3A_161 = vector.shape_cast %swap3A_160 : vector<1x1x16xf32> to vector<16xf32>
            %swap3A_162 = vector.shape_cast %add3A_156 : vector<16xf32> to vector<1x1x16xf32>
            tpu.vector_store %arg7[%swap3A_157, %swap3A_158, %swap3A_159], %swap3A_162 {strides = array<i32>} : memref<4x128x64xf32, #tpu.memory_space<vmem>>, vector<1x1x16xf32>,
            %get3A_163 = arith.index_cast %scan3A_22 : i32 to index
            %get3A_164 = arith.index_cast %add3A_133 : i32 to index
            %get3A_165 = arith.constant 32 : index
            %get3A_166 = tpu.vector_load %arg7[%get3A_163, %get3A_164, %get3A_165] {strides = array<i32>} : memref<4x128x64xf32, #tpu.memory_space<vmem>>, vector<1x1x16xf32>,
            %get3A_167 = vector.shape_cast %get3A_166 : vector<1x1x16xf32> to vector<16xf32>
            %add3A_168 = arith.addf %get3A_167, %get3A_35 : vector<16xf32>
            %mul3A_169 = arith.mulf %gather3A_135, %get3A_51 : vector<16xf32>
            %add3A_170 = arith.addf %add3A_168, %mul3A_169 : vector<16xf32>
            %swap3A_171 = arith.index_cast %scan3A_22 : i32 to index
            %swap3A_172 = arith.index_cast %add3A_133 : i32 to index
            %swap3A_173 = arith.constant 32 : index
            %swap3A_174 = tpu.vector_load %arg7[%swap3A_171, %swap3A_172, %swap3A_173] {strides = array<i32>} : memref<4x128x64xf32, #tpu.memory_space<vmem>>, vector<1x1x16xf32>,
            %swap3A_175 = vector.shape_cast %swap3A_174 : vector<1x1x16xf32> to vector<16xf32>
            %swap3A_176 = vector.shape_cast %add3A_170 : vector<16xf32> to vector<1x1x16xf32>
            tpu.vector_store %arg7[%swap3A_171, %swap3A_172, %swap3A_173], %swap3A_176 {strides = array<i32>} : memref<4x128x64xf32, #tpu.memory_space<vmem>>, vector<1x1x16xf32>,
            %get3A_177 = arith.index_cast %scan3A_22 : i32 to index
            %get3A_178 = arith.index_cast %add3A_133 : i32 to index
            %get3A_179 = arith.constant 48 : index
            %get3A_180 = tpu.vector_load %arg7[%get3A_177, %get3A_178, %get3A_179] {strides = array<i32>} : memref<4x128x64xf32, #tpu.memory_space<vmem>>, vector<1x1x16xf32>,
            %get3A_181 = vector.shape_cast %get3A_180 : vector<1x1x16xf32> to vector<16xf32>
            %add3A_182 = arith.addf %get3A_181, %get3A_39 : vector<16xf32>
            %mul3A_183 = arith.mulf %gather3A_135, %get3A_55 : vector<16xf32>
            %add3A_184 = arith.addf %add3A_182, %mul3A_183 : vector<16xf32>
            %swap3A_185 = arith.index_cast %scan3A_22 : i32 to index
            %swap3A_186 = arith.index_cast %add3A_133 : i32 to index
            %swap3A_187 = arith.constant 48 : index
            %swap3A_188 = tpu.vector_load %arg7[%swap3A_185, %swap3A_186, %swap3A_187] {strides = array<i32>} : memref<4x128x64xf32, #tpu.memory_space<vmem>>, vector<1x1x16xf32>,
            %swap3A_189 = vector.shape_cast %swap3A_188 : vector<1x1x16xf32> to vector<16xf32>
            %swap3A_190 = vector.shape_cast %add3A_184 : vector<16xf32> to vector<1x1x16xf32>
            tpu.vector_store %arg7[%swap3A_185, %swap3A_186, %swap3A_187], %swap3A_190 {strides = array<i32>} : memref<4x128x64xf32, #tpu.memory_space<vmem>>, vector<1x1x16xf32>,
            %scan3A_191 = arith.constant 0 : i32
            scf.yield %scan3A_191 : i32
          }
          %scan3A_127 = arith.constant 16 : i32
          %scan3A_128 = arith.constant 0 : i32
          scf.yield %scan3A_128 : i32
        }
        %scan3A_62 = arith.constant 8 : i32
        %scan3A_63 = arith.constant 0 : i32
        scf.yield %scan3A_63 : i32
      }
      %scan3A_20 = arith.constant 4 : i32
      "tpu.region"() ({
        %run_scoped3A = tpu.sem_alloc : memref<!tpu.dma_semaphore, #tpu.memory_space<semaphore_mem>>
        %dma_start3A = arith.constant 0 : i32
        %dma_start3A_22 = arith.constant 0 : i32
        %dma_start3A_23 = tpu.memref_slice %arg6[%add3A_13, %dma_start3A, %dma_start3A_22] : memref<2048x128x64xf32, #tpu.memory_space<hbm>> -> memref<4x128x64xf32, #tpu.memory_space<hbm>>
        %dma_start3A_24 = arith.constant 0 : i32
        %dma_start3A_25 = arith.constant 0 : i32
        %dma_start3A_26 = tpu.memref_slice %arg6[%add3A_13, %dma_start3A_24, %dma_start3A_25] : memref<2048x128x64xf32, #tpu.memory_space<hbm>> -> memref<4x128x64xf32, #tpu.memory_space<hbm>>
        tpu.enqueue_dma source(%arg7 : memref<4x128x64xf32, #tpu.memory_space<vmem>>) target(%dma_start3A_26 : memref<4x128x64xf32, #tpu.memory_space<hbm>>) target_semaphore(%run_scoped3A : memref<!tpu.dma_semaphore, #tpu.memory_space<semaphore_mem>>)
        %dma_wait3A = arith.constant 0 : i32
        %dma_wait3A_27 = arith.constant 0 : i32
        %dma_wait3A_28 = tpu.memref_slice %arg6[%add3A_13, %dma_wait3A, %dma_wait3A_27] : memref<2048x128x64xf32, #tpu.memory_space<hbm>> -> memref<4x128x64xf32, #tpu.memory_space<hbm>>
        %dma_wait3A_29 = arith.constant 0 : i32
        %dma_wait3A_30 = arith.constant 0 : i32
        %dma_wait3A_31 = tpu.memref_slice %arg6[%add3A_13, %dma_wait3A_29, %dma_wait3A_30] : memref<2048x128x64xf32, #tpu.memory_space<hbm>> -> memref<4x128x64xf32, #tpu.memory_space<hbm>>
        tpu.wait_dma2 semaphore(%run_scoped3A : memref<!tpu.dma_semaphore, #tpu.memory_space<semaphore_mem>>) src(%arg7 : memref<4x128x64xf32, #tpu.memory_space<vmem>>) dst(%dma_wait3A_31 : memref<4x128x64xf32, #tpu.memory_space<hbm>>)
        tpu.yield
      }) : () -> ()
      %scan3A_21 = arith.constant 0 : i32
      scf.yield %scan3A_21 : i32
    }
    %scan3A_8 = arith.constant 16 : i32
    return
  }
}

</mosaic_0001>

<sc_bundles>
// kernel: kernel.3.cloned.1.call-start
scs
__scs_entry_jumppad:
0x0: {  	(pc) =	sbr.rel $0x88, $3  }
0x1: {  	(tag) =	ssettag $0x0;
	lr =	simm.s32 $0x1  }
0x2: {  	[smem:$0x3F9D] =	sst lr;
	_ =	strace $0xD0000000  }
0x3: {  	_ = 	snop  }
0x4: {  	_ = 	snop  }
0x5: {  	_ = 	snop  }
0x6: {  	_ = 	snop  }
0x7: {  	_ = 	snop  }
__scs_overlays_trampoline_lowered:
0x8: {  	[smem:$0x3FAC] =	sst s0  }
0x9: {  	[smem:$0x3FAD] =	sst s1  }
0xa: {  	[smem:$0x3FAE] =	sst s2  }
0xb: {  	[smem:$0x3FAF] =	sst s3  }
0xc: {  	[smem:$0x3FB0] =	sst s4  }
0xd: {  	[smem:$0x3FB1] =	sst s5  }
0xe: {  	[smem:$0x3FB2] =	sst s6  }
0xf: {  	[smem:$0x3FB3] =	sst s7  }
0x10: {  	[smem:$0x3FB4] =	sst s8  }
0x11: {  	[smem:$0x3FB5] =	sst s9;
	s0 =	simm.s32 @!p0 $0x0  }
0x12: {  	s1 =	sld [smem:$0x3F9B];
	s0 =	simm.s32 @p0 $0x1  }
0x13: {  	[smem:$0x3FB6] =	sst s0;
	s0 =	simm.s32 @!p1 $0x0  }
0x14: {  	s2 =	sld [smem:$0x3F9A];
	s0 =	simm.s32 @p1 $0x1  }
0x15: {  	[smem:$0x3FB7] =	sst s0;
	s0 =	simm.s32 @!p2 $0x0  }
0x16: {  	s3 =	sld [smem:$0x3FDB];
	s0 =	simm.s32 @p2 $0x1  }
0x17: {  	s4 =	simm.s32 $0x1BF5;
	[smem:$0x3FB9] =	sst s0  }
0x18: {  	s0 =	sld [smem:$0x3F9C];
	_ =	swait.ge [sflag:s4], $0x0  }
0x19: {  	s7 =	sld [smem:$0x3F9D]  }
0x1a: {  	s8 =	sadd.s32 $0xFFFFE003, lr  }
0x1b: {  	s9 =	sadd.s32 $0xFFFFFEF7, lr;
	s5 =	simm.s32 $0xFFFFFFFF;
	p2 =	slt.u32 s8, $0xFFFFF086  }
0x1c: {  	p1 =	slt.u32 s9, $0xF7A;
	s5 =	simm.s32 @!p2 $0x0  }
0x1d: {  	s5 =	simm.s32 @p1 $0x1;
	p0 =	seq.s32 s7, s2  }
0x1e: {  	s7 =	smul.u32 @!p0 $0xF7A, s2;
	p2 =	seq.s32 @!p0 s5, $0x0  }
0x1f: {  	s9 =	smul.u32 $0xF7A, s1;
	s8 =	simm.s32 @!p0 $0x1BF5;
	p2 =	por !p2, p0  }
0x20: {  	[sflag:s8] =	ssyncset.s32 @!p0 $0xFFFFF086;
	s6 =	sadd.s32 @!p0 s3, s7;
	s7 =	simm.s32 @!p0 $0x108  }
0x21: {  	s3 =	sadd.s32 s3, s9;
	s6 =	sadd.s32 @!p0 $0x88, s6;
	s7 =	simm.s32 @p2 $0x1082  }
0x22: {  	[simem:s7], [sflag:s8] =	dma.local @!p0 [hbm:s6], $0xF7A  }
0x23: {  	s9 =	sor.u32 $0xD0000000, s2;
	s6 =	simm.s32 $0x108;
	_ =	swait.ge @!p0 [sflag:s8], $0x0  }
0x24: {  	s3 =	sadd.s32 $0x88, s3;
	s6 =	simm.s32 @!p1 $0x1082;
	[sflag:s4] =	ssyncset.s32 $0xFFFFF086  }
0x25: {  	[simem:s6], [sflag:s4] =	dma.local [hbm:s3], $0xF7A  }
0x26: {  	[smem:$0x3F9D] =	sst s1;
	(tag) =	ssettag s2;
	_ =	strace s9  }
0x27: {  	s1 =	sld [smem:$0x3FAD]  }
0x28: {  	s2 =	sld [smem:$0x3FAE]  }
0x29: {  	s4 =	sld [smem:$0x3FB0]  }
0x2a: {  	p0 =	seq.s32 s5, $0x0;
	s5 =	sld [smem:$0x3FB1]  }
0x2b: {  	s6 =	sld [smem:$0x3FB2]  }
0x2c: {  	s7 =	sld [smem:$0x3FB3]  }
0x2d: {  	s3 =	simm.s32 $0x108;
	s8 =	sld [smem:$0x3FB4]  }
0x2e: {  	s3 =	simm.s32 @!p0 $0x1082;
	s9 =	sld [smem:$0x3FB5]  }
0x2f: {  	lr =	sadd.s32 s0, s3;
	s0 =	sld [smem:$0x3FAC]  }
0x30: {  	s3 =	sld [smem:$0x3FAF]  }
0x31: {  	[smem:$0x3FB8] =	sst s10  }
0x32: {  	s10 =	sld [smem:$0x3FB6];
	_ =	sdelay $0x3  }
0x33: {  	p0 =	seq.s32 s10, $0x1;
	s10 =	sld [smem:$0x3FB8];
	_ =	sdelay $0x3  }
0x34: {  	[smem:$0x3FB8] =	sst s10  }
0x35: {  	s10 =	sld [smem:$0x3FB7];
	_ =	sdelay $0x3  }
0x36: {  	p1 =	seq.s32 s10, $0x1;
	s10 =	sld [smem:$0x3FB8];
	_ =	sdelay $0x3  }
0x37: {  	[smem:$0x3FB8] =	sst s10  }
0x38: {  	s10 =	sld [smem:$0x3FB9]  }
0x39: {  	_ = 	snop;
	(pc) =	sbr.ind lr, $3  }
0x3a: {  	_ = 	snop  }
0x3b: {  	_ = 	snop  }
0x3c: {  	p2 =	seq.s32 s10, $0x1;
	s10 =	sld [smem:$0x3FB8]  }
0x3d: {  	_ =	shalt  }
0x3e: {  	_ =	shalt  }
0x3f: {  	_ =	shalt  }
0x40: {  	_ =	shalt  }
0x41: {  	_ =	shalt  }
0x42: {  	_ =	shalt  }
0x43: {  	_ =	shalt  }
0x44: {  	_ =	shalt  }
0x45: {  	_ =	shalt  }
0x46: {  	_ =	shalt  }
0x47: {  	_ =	shalt  }
0x48: {  	_ =	shalt  }
0x49: {  	_ =	shalt  }
0x4a: {  	_ =	shalt  }
0x4b: {  	_ =	shalt  }
0x4c: {  	_ =	shalt  }
0x4d: {  	_ =	shalt  }
0x4e: {  	_ =	shalt  }
0x4f: {  	_ =	shalt  }
0x50: {  	_ =	shalt  }
0x51: {  	_ =	shalt  }
0x52: {  	_ =	shalt  }
0x53: {  	_ =	shalt  }
0x54: {  	_ =	shalt  }
0x55: {  	_ =	shalt  }
0x56: {  	_ =	shalt  }
0x57: {  	_ =	shalt  }
0x58: {  	_ =	shalt  }
0x59: {  	_ =	shalt  }
0x5a: {  	_ =	shalt  }
0x5b: {  	_ =	shalt  }
0x5c: {  	_ =	shalt  }
0x5d: {  	_ =	shalt  }
0x5e: {  	_ =	shalt  }
0x5f: {  	_ =	shalt  }
0x60: {  	_ =	shalt  }
0x61: {  	_ =	shalt  }
0x62: {  	_ =	shalt  }
0x63: {  	_ =	shalt  }
0x64: {  	_ =	shalt  }
0x65: {  	_ =	shalt  }
0x66: {  	_ =	shalt  }
0x67: {  	_ =	shalt  }
0x68: {  	_ =	shalt  }
0x69: {  	_ =	shalt  }
0x6a: {  	_ =	shalt  }
0x6b: {  	_ =	shalt  }
0x6c: {  	_ =	shalt  }
0x6d: {  	_ =	shalt  }
0x6e: {  	_ =	shalt  }
0x6f: {  	_ =	shalt  }
0x70: {  	_ =	shalt  }
0x71: {  	_ =	shalt  }
0x72: {  	_ =	shalt  }
0x73: {  	_ =	shalt  }
0x74: {  	_ =	shalt  }
0x75: {  	_ =	shalt  }
0x76: {  	_ =	shalt  }
0x77: {  	_ =	shalt  }
0x78: {  	_ =	shalt  }
0x79: {  	_ =	shalt  }
0x7a: {  	_ =	shalt  }
0x7b: {  	_ =	shalt  }
0x7c: {  	_ =	shalt  }
0x7d: {  	_ =	shalt  }
0x7e: {  	_ =	shalt  }
0x7f: {  	_ =	shalt  }
0x80: {  	_ =	shalt  }
0x81: {  	_ =	shalt  }
0x82: {  	_ =	shalt  }
0x83: {  	_ =	shalt  }
0x84: {  	_ =	shalt  }
0x85: {  	_ =	shalt  }
0x86: {  	_ =	shalt  }
0x87: {  	_ =	shalt  }
.Lfunc_end0:
.L_simem_size_0:
called_computation_lowered:
.L_overlay_start_0:
0x88: {  	s2 =	sld [smem:$0x3FD9]  }
0x89: {  	s3 =	sld [smem:$0x3FFE];
	_ =	sdelay $0x1  }
0x8a: {  	s1 =	srdreg.scid  }
0x8b: {  	s0 =	sand.u32 $0x1, s1  }
0x8c: {  	s17 =	sshll.u32 s0, $0xA;
	s2 =	sadd.s32 s3, s2  }
0x8d: {  	s2 =	sadd.s32 s2, s17  }
0x8e: {  	[smem:$0x3FC4] =	sst s2  }
0x8f: {  	_ = 	snop  }
0x90: {  	s2 =	sld [smem:$0x3FC8]  }
0x91: {  	s18 =	sld [smem:$0x3FD0];
	(tm) =	ssettm $0x1  }
0x92: {  	s4 =	sld [smem:$0x3FFB];
	_ =	sdelay $0x3  }
0x93: {  	_ =	strace s4  }
0x94: {  	s4 =	sld [smem:$0x3FFC];
	_ =	sdelay $0x3  }
0x95: {  	_ =	strace s4  }
0x96: {  	s4 =	sld [smem:$0x3FFD];
	_ =	sdelay $0x3  }
0x97: {  	_ =	strace s4  }
0x98: {  	_ =	strace $0x8FFFFFFF  }
0x99: {  	s19 =	sld [smem:$0x3FDB];
	_ =	sdelay $0x1  }
0x9a: {  	s5 =	simm.s32 $_scs_section_size  }
0x9b: {  	s6 =	simm.s32 $_size__tile_overlayer_lowered;
	s7 =	simm.s32 $_tile_overlayer_lowered  }
0x9c: {  	s22 =	simm.s32 $0x1BFF;
	s21 =	sshll.u32 s7, $0x1;
	s4 =	sadd.s32 s5, s19  }
0x9d: {  	s8 =	simm.s32 $0x0;
	s20 =	sshll.u32 s6, $0x1;
	s6 =	sadd.s32 s21, s4  }
0x9e: {  	[timem:s8], [sflag:s22] =	dma.local [hbm:s6], s20  }
0x9f: {  	_ =	swait.ge [sflag:s22], s20  }
0xa0: {  	s5 =	ssub.s32 $0x0, s20;
	[sflag:s22] =	ssyncset.done $0x0  }
0xa1: {  	[sflag:s22] =	ssyncadd.s32 s5;
	_ =	sdelay $0x1  }
0xa2: {  	s23 =	simm.s32 $0x1B8B  }
0xa3: {  	_ =	swait.ge [sflag:s23], $0x1  }
0xa4: {  	[sflag:s23] =	ssyncset.done $0x0  }
0xa5: {  	s25 =	simm.s32 $0x1B8E;
	s24 =	sld [smem:$0x3FFE];
	[sflag:s23] =	ssyncadd.s32 $0xFFFFFFFF  }
0xa6: {  	s26 =	simm.s32 $execute0_lowered;
	[smem:$0x3FD2] =	sst s25  }
0xa7: {  	s6 =	sshll.u32 s26, $0x1;
	_ =	strace $0x80000046;
	[dreg:$0x1] =	wrdreg $0xFFFFFFFF  }
0xa8: {  	s28 =	simm.s32 $_size_execute0_lowered;
	s4 =	sadd.s32 s4, s6;
	[dreg:$0x0] =	wrdreg $0x0  }
0xa9: {  	s6 =	sshll.u32 s28, $0x1;
	[dreg:$0x2] =	wrdreg s4  }
0xaa: {  	[dreg:$0x3] =	wrdreg s6  }
0xab: {  	[dreg:$0x4] =	wrdreg $0xC0  }
0xac: {  	_ =	task [dreg:s8], $0x5FFFF  }
0xad: {  	[dreg:$0x1] =	wrdreg $0xFFFFFFFF  }
0xae: {  	[dreg:$0x0] =	wrdreg $0x60  }
0xaf: {  	[dreg:$0x2] =	wrdreg s24  }
0xb0: {  	[dreg:$0x3] =	wrdreg s2  }
0xb1: {  	[dreg:$0x4] =	wrdreg s18  }
0xb2: {  	[dreg:$0x5] =	wrdreg $0x9  }
0xb3: {  	_ =	task.clear_ibuf [dreg:s8], $0x6FFFF;
	_ =	strace $0x90000046  }
0xb4: {  	s29 =	simm.s32 $0x9;
	_ =	strace $0x80000048  }
0xb5: {  	_ =	swait.ge [sflag:s29], $0x1  }
0xb6: {  	[sflag:s29] =	ssyncadd.s32 $0xFFFFFFFF  }
0xb7: {  	_ =	strace $0x90000048  }
0xb8: {  	_ =	sfence  }
0xb9: {  	s30 =	sld [smem:$0x0];
	_ =	sdelay $0x2  }
0xba: {  	s31 =	sshll.u32 s1, $0xD;
	s1 =	sshrl.u32 s1, $0x2  }
0xbb: {  	s3 =	sand.u32 $0x4000, s31;
	s1 =	sadd.s32 s1, s30  }
0xbc: {  	s0 =	sor.u32 s3, s0;
	s1 =	sshll.u32 s1, $0x11  }
0xbd: {  	s0 =	sor.u32 s1, s0  }
0xbe: {  	s0 =	sadd.s32 $0x8F2B, s0  }
0xbf: {  	[sflag:s0] =	ssyncadd.remote.s32 $0x1  }
0xc0: {  	_ =	sfence.sel $0xFFFF  }
0xc1: {  	[dreg:$0x0] =	wrdreg $0xFFFFFFFF;
	(pc) =	sbr.abs _section_cstart, $3  }
0xc2: {  	[dreg:$0x1] =	wrdreg $0xFFFFFFFF  }
0xc3: {  	_ =	task.clear_ibuf [dreg:s8], $0x2FFFF;
	_ =	strace $0x9FFFFFFF  }
0xc4: {  	(tm) =	ssettm $0x7FFFFFFF  }
0xc5: {  	_ =	shalt  }
tec
execute0_lowered:
.L_overlay_start_1:
0x0: {  	(tag) =	ssettag $0x1  }
0x1: {  	s7 =	rddreg [dreg:$0x0]  }
0x2: {  	s1 =	rddreg [dreg:$0x1]  }
0x3: {  	s2 =	rddreg [dreg:$0x2]  }
0x4: {  	s0 =	rddreg [dreg:$0x3]  }
0x5: {  	s3 =	simm.s32 $0x0;
	s4 =	srdreg.scid;
	s12 =	simm.s32 $0x10000  }
0x6: {  	s13 =	simm.s32 $0x10200;
	s14 =	simm.s32 $0x0;
	[smem:$0x7FF] =	sst s3  }
0x7: {  	s5 =	sadd.s32 $0x8400, s7;
	s8 =	sand.u32 $0x1, s4;
	s6 =	sadd.s32 $0x400, s7  }
0x8: {  	s4 =	stileid.u32;
	s7 =	sadd.s32 $0x408400, s7;
	s9 =	ssub.s32 $0x2, s8  }
0x9: {  	s11 =	sshll.u32 s4, $0x7;
	s8 =	sshll.u32 s8, $0x6;
	s10 =	sshrl.u32 s9, $0x1  }
0xa: {  	_ =	strace $0x80000047;
	s8 =	sor.u32 s8, s11;
	s9 =	ssub.s32 s9, s10  }
0xb: {  	v0 =	vimm.f32 $0.0e+00;
	s11 =	simm.s32 $0x1;
	s10 =	simm.s32 $0x10400;
	s9 =	smax.u32 s9, $0x1  }
.LBB2_1:
0xc: {  	[tilespmem:s10], [sflag:$0x1] =	stream.linear.gather [hbm4b:s1+s3], $0x200, $0x38;
	[tilespmem:$0x10600] =	vst v63  }
0xd: {  	_ =	swait.ge [sflag:s11], $0x200  }
0xe: {  	[sflag:s11] =	ssyncset.done $0x0  }
0xf: {  	s15 =	simm.s32 $0x0;
	[sflag:s11] =	ssyncadd.s32 $0xFFFFFE00  }
.LBB2_2:
0x10: {  	s16 =	sshll.u32 s15, $0x2  }
0x11: {  	s17 =	sadd.s32 s8, s16  }
0x12: {  	s18 =	simm.s32 $0x0;
	s16 =	sshll.u32 s17, $0xB  }
0x13: {  	s20 =	sshll.u32 s15, $0x6;
	s31 =	sshll.u32 s17, $0x4;
	s19 =	sadd.s32 s5, s16  }
0x14: {  	[tilespmem:s18], [sflag:$0x1] =	stream.linear.gather [hbm4b:s19+s18], $0x10000, $0x38;
	[tilespmem:$0x10600] =	vst v63  }
0x15: {  	s20 =	sand.u32 $0x40, s20;
	s19 =	sand.u32 $0x7F80, s31;
	_ =	swait.ge [sflag:s11], $0x10000  }
0x16: {  	s19 =	sor.u32 s20, s19;
	[sflag:s11] =	ssyncset.done $0x0  }
0x17: {  	s20 =	sadd.s32 s2, s19;
	[sflag:s11] =	ssyncadd.s32 $0xFFFF0000  }
0x18: {  	[tilespmem:s12], [sflag:$0x1] =	stream.linear.gather [hbm4b:s20+s18], $0x200, $0x38;
	[tilespmem:$0x10600] =	vst v63  }
0x19: {  	_ =	swait.ge [sflag:s11], $0x200  }
0x1a: {  	[sflag:s11] =	ssyncset.done $0x0  }
0x1b: {  	s19 =	sadd.s32 s6, s19;
	[sflag:s11] =	ssyncadd.s32 $0xFFFFFE00  }
0x1c: {  	[tilespmem:s13], [sflag:$0x1] =	stream.linear.gather [hbm4b:s19+s18], $0x200, $0x38;
	[tilespmem:$0x10600] =	vst v63  }
0x1d: {  	_ =	swait.ge [sflag:s11], $0x200  }
0x1e: {  	[sflag:s11] =	ssyncset.done $0x0  }
0x1f: {  	s19 =	simm.s32 $0x20;
	[sflag:s11] =	ssyncadd.s32 $0xFFFFFE00  }
.LBB2_3:
0x20: {  	s20 =	sshll.u32 s18, $0x7  }
0x21: {  	v1 =	vld [tilespmem:s20+$0x10000]  }
0x22: {  	v2 =	vld [tilespmem:s20+$0x10010]  }
0x23: {  	v3 =	vld [tilespmem:s20+$0x10020]  }
0x24: {  	v4 =	vld [tilespmem:s20+$0x10030]  }
0x25: {  	v5 =	vld [tilespmem:s20+$0x10200]  }
0x26: {  	v6 =	vld [tilespmem:s20+$0x10210]  }
0x27: {  	s21 =	sor.u32 s17, s18;
	v7 =	vld [tilespmem:s20+$0x10220]  }
0x28: {  	v8 =	vmov s21;
	v9 =	vld [tilespmem:s20+$0x10230];
	s20 =	smov.u32 s19;
	s21 =	simm.s32 $0x0  }
.LBB2_4:
0x29: {  	s22 =	sshll.u32 s21, $0x4  }
0x2a: {  	v10 =	vld [tilespmem:s22+$0x10400]  }
0x2b: {  	v11 =	vld [tilespmem:s22+$0x10480];
	_ =	sdelay $0x1  }
0x2c: {  	v12 =	vld [tilespmem:s22+$0x10500];
	_ =	sdelay $0x1  }
0x2d: {  	v13 =	vld [tilespmem:s22+$0x10580]  }
0x2e: {  	vm0 =	veq.s32 v10, v8;
	vm1 =	veq.s32 v11, v8  }
0x2f: {  	v10 =	vsel vm0, $0x3F800000, v0;
	v11 =	vsel vm1, $0x3F800000, v0  }
0x30: {  	vm14 =	veq.s32 v12, v8;
	v10 =	vadd.f32 v11, v10  }
0x31: {  	v11 =	vsel vm14, $0x3F800000, v0  }
0x32: {  	vm15 =	veq.s32 v13, v8;
	v10 =	vadd.f32 v11, v10  }
0x33: {  	v13 =	vsel vm15, $0x3F800000, v0;
	v11 =	vld [tilespmem:s20+$0xFFFFFFE0]  }
0x34: {  	s31 =	simm.s32 $0x0;
	v12 =	vld [tilespmem:s20+$0x0];
	v10 =	vadd.f32 v13, v10  }
0x35: {  	s24 =	simm.s32 $0x1;
	s23 =	smov.u32 s20;
	v14 =	vmov s31;
	s22 =	smov.u32 s20;
	v13 =	vld [tilespmem:s20+$0x10]  }
.LBB2_5:
0x36: {  	p0 =	sne.s32 s24, $0xF;
	v14 =	vperm.xlane v10, v14;
	v15 =	vld [tilespmem:s23+$0xFFFFFFF0];
	_ =	sdelay $0x1  }
0x37: {  	v11 =	vadd.f32 v11, v1;
	v16 =	vmul.f32 v14, v5;
	v17 =	vmul.f32 v14, v6  }
0x38: {  	v18 =	vmul.f32 v14, v7;
	v12 =	vadd.f32 v12, v3  }
0x39: {  	v14 =	vmul.f32 v14, v9;
	v11 =	vadd.f32 v11, v16;
	v13 =	vadd.f32 v13, v4  }
.Ltmp0:
0x3a: {  	v15 =	vadd.f32 v15, v2;
	v12 =	vadd.f32 v12, v18;
	(pc) =	sbr.rel @p0 .LBB2_5-.Ltmp0, $4  }
0x3b: {  	s23 =	sadd.s32 $0x80, s23;
	[tilespmem:s22+$0xFFFFFFE0] =	vst v11;
	v13 =	vadd.f32 v13, v14  }
0x3c: {  	v11 =	vld [tilespmem:s23+$0xFFFFFFE0];
	v15 =	vadd.f32 v15, v17;
	[tilespmem:s22+$0x0] =	vst v12  }
0x3d: {  	v12 =	vld [tilespmem:s23+$0x0];
	[tilespmem:s22+$0x10] =	vst v13  }
0x3e: {  	v14 =	vmov s24;
	s24 =	sadd.s32 $0x1, s24;
	v13 =	vld [tilespmem:s23+$0x10];
	[tilespmem:s22+$0xFFFFFFF0] =	vst v15;
	s22 =	smov.u32 s23  }
0x3f: {  	v10 =	vperm.xlane v10, v14;
	v62 =	vld [tilespmem:s23+$0xFFFFFFF0];
	_ =	sdelay $0x1  }
0x40: {  	v11 =	vadd.f32 v11, v1;
	v15 =	vmul.f32 v10, v5  }
0x41: {  	s21 =	sadd.s32 $0x1, s21;
	v16 =	vmul.f32 v10, v7;
	v12 =	vadd.f32 v12, v3  }
0x42: {  	p0 =	sne.s32 s21, $0x8;
	v63 =	vmul.f32 v10, v9;
	v11 =	vadd.f32 v11, v15;
	v13 =	vadd.f32 v13, v4  }
.Ltmp1:
0x43: {  	v10 =	vmul.f32 v10, v6;
	v14 =	vadd.f32 v62, v2;
	v12 =	vadd.f32 v12, v16;
	(pc) =	sbr.rel @p0 .LBB2_4-.Ltmp1, $4  }
0x44: {  	[tilespmem:s22+$0xFFFFFFE0] =	vst v11;
	v11 =	vadd.f32 v13, v63  }
0x45: {  	v10 =	vadd.f32 v14, v10;
	[tilespmem:s22+$0x0] =	vst v12  }
0x46: {  	[tilespmem:s22+$0x10] =	vst v11  }
0x47: {  	s20 =	sadd.s32 $0x800, s20;
	[tilespmem:s22+$0xFFFFFFF0] =	vst v10  }
0x48: {  	s18 =	sadd.s32 $0x1, s18  }
0x49: {  	p0 =	sne.s32 s18, $0x4  }
.Ltmp2:
0x4a: {  	_ = 	snop;
	(pc) =	sbr.rel @p0 .LBB2_3-.Ltmp2, $2  }
0x4b: {  	_ =	sdelay $0x2  }
0x4c: {  	s19 =	sadd.s32 $0x4000, s19  }
0x4d: {  	s15 =	sadd.s32 $0x1, s15  }
0x4e: {  	p0 =	sne.s32 s15, $0x10  }
.Ltmp3:
0x4f: {  	s16 =	sadd.s32 s7, s16;
	(pc) =	sbr.rel @p0 .LBB2_2-.Ltmp3, $4  }
0x50: {  	[hbm4b:s16+s3] =	stream.linear.scatter [tilespmem:s3], [sflag:$0x1], $0x10000, $0x38;
	[tilespmem:$0x10600] =	vst v63  }
0x51: {  	_ =	swait.ge [sflag:s11], $0x10000  }
0x52: {  	[sflag:s11] =	ssyncset.done $0x0  }
0x53: {  	[sflag:s11] =	ssyncadd.s32 $0xFFFF0000  }
0x54: {  	s14 =	sadd.s32 $0x1, s14  }
0x55: {  	p0 =	sne.s32 s14, s9  }
.Ltmp4:
0x56: {  	_ = 	snop;
	(pc) =	sbr.rel @p0 .LBB2_1-.Ltmp4, $1  }
0x57: {  	_ =	sdelay $0x3  }
0x58: {  	_ =	sfence.sel $0x180000  }
0x59: {  	[bflag:$0x0] =	sbarrier.arrive $0xFFFF  }
0x5a: {  	p0 =	sne.s32 s4, $0x0;
	_ =	strace $0x90000047  }
0x5b: {  	s0 =	sadd.s32 @!p0 $0x100000, s0;
	[bflag:$0x2] =	sbarrier.arrive $0xFFFF  }
0x5c: {  	[sflag:s0] =	ssyncadd.tile.s32 @!p0 $0x1;
	_ =	shalt  }
.Lfunc_end2:
_tile_overlayer_lowered:
.L_overlay_start_2:
0x5d: {  	(tag) =	ssettag $0x2  }
0x5e: {  	s0 =	rddreg [dreg:$0x0];
	s2 =	stileid.u32  }
0x5f: {  	s1 =	rddreg [dreg:$0x1];
	p0 =	sne.s32 s2, $0x0  }
0x60: {  	s3 =	rddreg [dreg:$0x2];
	[bflag:$0x3] =	sbarrier.arrive $0xFFFF;
	s2 =	simm.s32 @!p0 $0x1C01  }
0x61: {  	[timem:s3], [sflag:s2] =	dma.local @!p0 [hbm:s0], s1  }
0x62: {  	s0 =	simm.s32 @!p0 $0x1  }
0x63: {  	_ =	swait.ge @!p0 [sflag:s0], s1  }
0x64: {  	s1 =	ssub.s32 @!p0 $0x0, s1;
	[sflag:s0] =	ssyncset.done @!p0 $0x0  }
0x65: {  	[sflag:s0] =	ssyncadd.s32 @!p0 s1  }
0x66: {  	[bflag:$0x3] =	sbarrier.arrive $0xFFFF  }
0x67: {  	_ =	shalt  }

</sc_bundles>
